<compile_context>
chip_gen: v7x
topology: tpu7x:2x2x1
jax: 0.10.2.dev20260603
libtpu: 0.0.44.dev20260713+nightly
codegen_flags: <defaults>
</compile_context>

<pallas_src>
import functools
import math

import jax
import jax.numpy as jnp
from jax import lax
from jax.experimental import pallas as pl
from jax.experimental.pallas import tpu as pltpu
from jax.experimental.pallas import tpu_sc as plsc

_B = 4096
_R = 64
_NFF = 1024
_SCALE = math.sqrt(2.0 / _NFF)

_NC = 2
_NS = 16
_NW = _NC * _NS
_BPW = _B // _NW


_RP = 128


def _sc_gather_body(idx0_hbm, idx1_hbm, idx2_hbm, u0_hbm, u1_hbm, u2_hbm,
                    g0_hbm, g1_hbm, g2_hbm,
                    idx0_v, idx1_v, idx2_v, r0_v, r1_v, r2_v,
                    sem0, sem1, sem2):
    wid = lax.axis_index("s") * _NC + lax.axis_index("c")
    base = wid * _BPW
    pltpu.sync_copy(idx0_hbm.at[pl.ds(base, _BPW)], idx0_v)
    pltpu.sync_copy(idx1_hbm.at[pl.ds(base, _BPW)], idx1_v)
    pltpu.sync_copy(idx2_hbm.at[pl.ds(base, _BPW)], idx2_v)
    c0 = pltpu.async_copy(u0_hbm.at[idx0_v], r0_v, sem0)
    c1 = pltpu.async_copy(u1_hbm.at[idx1_v], r1_v, sem1)
    c2 = pltpu.async_copy(u2_hbm.at[idx2_v], r2_v, sem2)
    c0.wait()
    pltpu.sync_copy(r0_v, g0_hbm.at[pl.ds(base, _BPW)])
    c1.wait()
    pltpu.sync_copy(r1_v, g1_hbm.at[pl.ds(base, _BPW)])
    c2.wait()
    pltpu.sync_copy(r2_v, g2_hbm.at[pl.ds(base, _BPW)])


@functools.cache
def _sc_gather():
    return pl.kernel(
        _sc_gather_body,
        out_type=(
            jax.ShapeDtypeStruct((_B, _RP), jnp.float32),
            jax.ShapeDtypeStruct((_B, _RP), jnp.float32),
            jax.ShapeDtypeStruct((_B, _RP), jnp.float32),
        ),
        mesh=plsc.VectorSubcoreMesh(core_axis_name="c", subcore_axis_name="s"),
        scratch_types=[
            pltpu.VMEM((_BPW,), jnp.int32),
            pltpu.VMEM((_BPW,), jnp.int32),
            pltpu.VMEM((_BPW,), jnp.int32),
            pltpu.VMEM((_BPW, _RP), jnp.float32),
            pltpu.VMEM((_BPW, _RP), jnp.float32),
            pltpu.VMEM((_BPW, _RP), jnp.float32),
            pltpu.SemaphoreType.DMA,
            pltpu.SemaphoreType.DMA,
            pltpu.SemaphoreType.DMA,
        ],
    )


def _fast_cos(x):
    k = jnp.round(x * 0.6366197723675814)
    ki = k.astype(jnp.int32)
    r = x - k * 1.5707855224609375
    r = r - k * 1.0804334124e-5
    r = r - k * 6.0771e-11
    z = r * r
    cosp = ((2.443315711809948e-5 * z - 1.388731625493765e-3) * z
            + 4.166664568298827e-2) * z * z - 0.5 * z + 1.0
    sinp = (((-1.9515295891e-4 * z + 8.3321608736e-3) * z
             - 1.6666654611e-1) * z) * r + r
    m1 = ki & 1
    m2 = (ki >> 1) & 1
    res = jnp.where(m1 == 1, sinp, cosp)
    return jnp.where((m1 ^ m2) == 1, -res, res)


def _mlp_body(g0, g1, g2, t, w0, w1, w2, wt, bff, wout, bout, out):
    acc = jnp.dot(g0[:, :_R], w0[...], preferred_element_type=jnp.float32)
    acc += jnp.dot(g1[:, :_R], w1[...], preferred_element_type=jnp.float32)
    acc += jnp.dot(g2[:, :_R], w2[...], preferred_element_type=jnp.float32)
    acc += t[...] * wt[...]
    acc += bff[...]
    feat = _fast_cos(acc) * _SCALE
    out[...] = jnp.dot(feat, wout[...], preferred_element_type=jnp.float32) + bout[...]


def _mlp_call(blk):
    grid = _B // blk
    const = lambda shape: pl.BlockSpec(shape, lambda i: (0, 0))
    return pl.pallas_call(
        _mlp_body,
        grid=(grid,),
        in_specs=[
            pl.BlockSpec((blk, _RP), lambda i: (i, 0)),
            pl.BlockSpec((blk, _RP), lambda i: (i, 0)),
            pl.BlockSpec((blk, _RP), lambda i: (i, 0)),
            pl.BlockSpec((blk, 1), lambda i: (i, 0)),
            const((_R, _NFF)),
            const((_R, _NFF)),
            const((_R, _NFF)),
            const((1, _NFF)),
            const((1, _NFF)),
            const((_NFF, 1)),
            const((1, 1)),
        ],
        out_specs=pl.BlockSpec((blk, 1), lambda i: (i, 0)),
        out_shape=jax.ShapeDtypeStruct((_B, 1), jnp.float32),
    )


@jax.jit
def kernel(b_i_n, b_t_n, U0, U1, U2, W_ff, b_ff, W_out, b_out):
    idx0 = b_i_n[:, 0]
    idx1 = b_i_n[:, 1]
    idx2 = b_i_n[:, 2]
    tpad = ((0, 0), (0, _RP - _R))
    u0p = jnp.pad(U0, tpad)
    u1p = jnp.pad(U1, tpad)
    u2p = jnp.pad(U2, tpad)
    g0, g1, g2 = _sc_gather()(idx0, idx1, idx2, u0p, u1p, u2p)
    w0 = W_ff[0:_R]
    w1 = W_ff[_R:2 * _R]
    w2 = W_ff[2 * _R:3 * _R]
    wt = W_ff[3 * _R:3 * _R + 1]
    y = _mlp_call(1024)(
        g0, g1, g2, b_t_n.reshape(_B, 1),
        w0, w1, w2, wt, b_ff.reshape(1, _NFF),
        W_out, b_out.reshape(1, 1),
    )
    return y

# --- scband reference (transcript-rebuilt; emitter-appended) ---
"""Pipeline reference for scband-neural-time-64544768525259 (READ-ONLY COPY).

The authoritative reference and input builder live on the scoring server;
editing this copy changes nothing except your own understanding.
"""

import jax, jax.numpy as jnp
import numpy as np

NMOD = 3
NVEC = [100000, 100000, 100000]
R = 64
NFF = 1024
B = 4096


def setup_inputs(seed: int = 0) -> dict:
    key = jax.random.key(seed)
    ks = jax.random.split(key, 10)
    b_i_n = jax.random.randint(ks[0], (B, NMOD), 0, NVEC[0], dtype=jnp.int32)
    b_t_n = jax.random.uniform(ks[1], (B,), dtype=jnp.float32)
    U0 = jax.random.normal(ks[2], (NVEC[0], R), dtype=jnp.float32)
    U1 = jax.random.normal(ks[3], (NVEC[1], R), dtype=jnp.float32)
    U2 = jax.random.normal(ks[4], (NVEC[2], R), dtype=jnp.float32)
    input_dim = R * NMOD + 1
    # RFF (random Fourier feature) model params: projection, phase, linear readout
    W_ff = jax.random.normal(ks[5], (input_dim, NFF), dtype=jnp.float32)
    b_ff = jax.random.uniform(ks[6], (NFF,), dtype=jnp.float32, minval=0.0, maxval=2.0 * np.pi)
    W_out = jax.random.normal(ks[7], (NFF, 1), dtype=jnp.float32) * 0.01
    b_out = jnp.zeros((1,), dtype=jnp.float32)
    return {"b_i_n": b_i_n, "b_t_n": b_t_n, "U0": U0, "U1": U1, "U2": U2,
            "W_ff": W_ff, "b_ff": b_ff, "W_out": W_out, "b_out": b_out}


def reference(b_i_n, b_t_n, U0, U1, U2, W_ff, b_ff, W_out, b_out):
    # _extract_Uvec: gather one row per mode per example, concat along feature dim
    Uvec = jnp.concatenate([
        jnp.take(U0, b_i_n[:, 0], axis=0),
        jnp.take(U1, b_i_n[:, 1], axis=0),
        jnp.take(U2, b_i_n[:, 2], axis=0),
    ], axis=1)
    inputs = jnp.hstack([Uvec, b_t_n.reshape((-1, 1))]).astype(jnp.float32)
    # RFF forward: cos(x W + b) random features, then linear readout
    feat = jnp.sqrt(2.0 / NFF) * jnp.cos(inputs @ W_ff + b_ff)
    y = feat @ W_out + b_out
    return y

if __name__ == "__main__":
    import jax
    _d = setup_inputs()
    print(jax.jit(kernel)(*tuple(_d.values())))

</pallas_src>

<mosaic_0001>
#map = affine_map<(d0, d1) -> (0)>
#map1 = affine_map<(d0, d1) -> (0, 0)>
module attributes {stable_mosaic.version = 14 : i64} {
  func.func @_sc_gather_body(%arg0: i32, %arg1: i32, %arg2: memref<4096xi32, #tpu.memory_space<hbm>>, %arg3: memref<4096xi32, #tpu.memory_space<hbm>>, %arg4: memref<4096xi32, #tpu.memory_space<hbm>>, %arg5: memref<100000x128xf32, #tpu.memory_space<hbm>>, %arg6: memref<100000x128xf32, #tpu.memory_space<hbm>>, %arg7: memref<100000x128xf32, #tpu.memory_space<hbm>>, %arg8: memref<4096x128xf32, #tpu.memory_space<hbm>>, %arg9: memref<4096x128xf32, #tpu.memory_space<hbm>>, %arg10: memref<4096x128xf32, #tpu.memory_space<hbm>>, %arg11: memref<128xi32, #tpu.memory_space<vmem>>, %arg12: memref<128xi32, #tpu.memory_space<vmem>>, %arg13: memref<128xi32, #tpu.memory_space<vmem>>, %arg14: memref<128x128xf32, #tpu.memory_space<vmem>>, %arg15: memref<128x128xf32, #tpu.memory_space<vmem>>, %arg16: memref<128x128xf32, #tpu.memory_space<vmem>>, %arg17: memref<!tpu.dma_semaphore, #tpu.memory_space<semaphore_mem>>, %arg18: memref<!tpu.dma_semaphore, #tpu.memory_space<semaphore_mem>>, %arg19: memref<!tpu.dma_semaphore, #tpu.memory_space<semaphore_mem>>) attributes {dimension_semantics = [#tpu.dimension_semantics<core_parallel>, #tpu.dimension_semantics<subcore_parallel>], iteration_bounds = array<i64: 2, 16>, scalar_prefetch = 0 : i64, scratch_operands = 9 : i64, tpu.core_type = #tpu.core_type<sc_vector_subcore>, window_params = [{transform_indices = #map}, {transform_indices = #map}, {transform_indices = #map}, {transform_indices = #map1}, {transform_indices = #map1}, {transform_indices = #map1}, {transform_indices = #map1}, {transform_indices = #map1}, {transform_indices = #map1}]} {
    %mul3A = arith.constant 2 : i32
    %mul3A_0 = arith.muli %arg1, %mul3A : i32
    %add3A = arith.addi %mul3A_0, %arg0 : i32
    %mul3A_1 = arith.constant 128 : i32
    %mul3A_2 = arith.muli %add3A, %mul3A_1 : i32
    "tpu.region"() ({
      %run_scoped3A = tpu.sem_alloc : memref<!tpu.dma_semaphore, #tpu.memory_space<semaphore_mem>>
      %dma_start3A_19 = tpu.memref_slice %arg2[%mul3A_2] : memref<4096xi32, #tpu.memory_space<hbm>> -> memref<128xi32, #tpu.memory_space<hbm>>
      %dma_start3A_20 = tpu.memref_slice %arg2[%mul3A_2] : memref<4096xi32, #tpu.memory_space<hbm>> -> memref<128xi32, #tpu.memory_space<hbm>>
      tpu.enqueue_dma source(%dma_start3A_20 : memref<128xi32, #tpu.memory_space<hbm>>) target(%arg11 : memref<128xi32, #tpu.memory_space<vmem>>) target_semaphore(%run_scoped3A : memref<!tpu.dma_semaphore, #tpu.memory_space<semaphore_mem>>)
      %dma_wait3A_21 = tpu.memref_slice %arg2[%mul3A_2] : memref<4096xi32, #tpu.memory_space<hbm>> -> memref<128xi32, #tpu.memory_space<hbm>>
      %dma_wait3A_22 = tpu.memref_slice %arg2[%mul3A_2] : memref<4096xi32, #tpu.memory_space<hbm>> -> memref<128xi32, #tpu.memory_space<hbm>>
      tpu.wait_dma2 semaphore(%run_scoped3A : memref<!tpu.dma_semaphore, #tpu.memory_space<semaphore_mem>>) src(%dma_wait3A_22 : memref<128xi32, #tpu.memory_space<hbm>>) dst(%arg11 : memref<128xi32, #tpu.memory_space<vmem>>)
      tpu.yield
    }) : () -> ()
    "tpu.region"() ({
      %run_scoped3A = tpu.sem_alloc : memref<!tpu.dma_semaphore, #tpu.memory_space<semaphore_mem>>
      %dma_start3A_19 = tpu.memref_slice %arg3[%mul3A_2] : memref<4096xi32, #tpu.memory_space<hbm>> -> memref<128xi32, #tpu.memory_space<hbm>>
      %dma_start3A_20 = tpu.memref_slice %arg3[%mul3A_2] : memref<4096xi32, #tpu.memory_space<hbm>> -> memref<128xi32, #tpu.memory_space<hbm>>
      tpu.enqueue_dma source(%dma_start3A_20 : memref<128xi32, #tpu.memory_space<hbm>>) target(%arg12 : memref<128xi32, #tpu.memory_space<vmem>>) target_semaphore(%run_scoped3A : memref<!tpu.dma_semaphore, #tpu.memory_space<semaphore_mem>>)
      %dma_wait3A_21 = tpu.memref_slice %arg3[%mul3A_2] : memref<4096xi32, #tpu.memory_space<hbm>> -> memref<128xi32, #tpu.memory_space<hbm>>
      %dma_wait3A_22 = tpu.memref_slice %arg3[%mul3A_2] : memref<4096xi32, #tpu.memory_space<hbm>> -> memref<128xi32, #tpu.memory_space<hbm>>
      tpu.wait_dma2 semaphore(%run_scoped3A : memref<!tpu.dma_semaphore, #tpu.memory_space<semaphore_mem>>) src(%dma_wait3A_22 : memref<128xi32, #tpu.memory_space<hbm>>) dst(%arg12 : memref<128xi32, #tpu.memory_space<vmem>>)
      tpu.yield
    }) : () -> ()
    "tpu.region"() ({
      %run_scoped3A = tpu.sem_alloc : memref<!tpu.dma_semaphore, #tpu.memory_space<semaphore_mem>>
      %dma_start3A_19 = tpu.memref_slice %arg4[%mul3A_2] : memref<4096xi32, #tpu.memory_space<hbm>> -> memref<128xi32, #tpu.memory_space<hbm>>
      %dma_start3A_20 = tpu.memref_slice %arg4[%mul3A_2] : memref<4096xi32, #tpu.memory_space<hbm>> -> memref<128xi32, #tpu.memory_space<hbm>>
      tpu.enqueue_dma source(%dma_start3A_20 : memref<128xi32, #tpu.memory_space<hbm>>) target(%arg13 : memref<128xi32, #tpu.memory_space<vmem>>) target_semaphore(%run_scoped3A : memref<!tpu.dma_semaphore, #tpu.memory_space<semaphore_mem>>)
      %dma_wait3A_21 = tpu.memref_slice %arg4[%mul3A_2] : memref<4096xi32, #tpu.memory_space<hbm>> -> memref<128xi32, #tpu.memory_space<hbm>>
      %dma_wait3A_22 = tpu.memref_slice %arg4[%mul3A_2] : memref<4096xi32, #tpu.memory_space<hbm>> -> memref<128xi32, #tpu.memory_space<hbm>>
      tpu.wait_dma2 semaphore(%run_scoped3A : memref<!tpu.dma_semaphore, #tpu.memory_space<semaphore_mem>>) src(%dma_wait3A_22 : memref<128xi32, #tpu.memory_space<hbm>>) dst(%arg13 : memref<128xi32, #tpu.memory_space<vmem>>)
      tpu.yield
    }) : () -> ()
    %dma_start3A = arith.constant 0 : i32
    %dma_start3A_3 = arith.constant 0 : i32
    %dma_start3A_4 = tpu.memref_slice %arg5[%dma_start3A, %dma_start3A_3] : memref<100000x128xf32, #tpu.memory_space<hbm>> -> memref<100000x128xf32, #tpu.memory_space<hbm>>
    tpu.enqueue_indirect_dma source(%dma_start3A_4 : memref<100000x128xf32, #tpu.memory_space<hbm>>) target(%arg14 : memref<128x128xf32, #tpu.memory_space<vmem>>) offsets(%arg11 : memref<128xi32, #tpu.memory_space<vmem>>) semaphore(%arg17 : memref<!tpu.dma_semaphore, #tpu.memory_space<semaphore_mem>>)
    %dma_start3A_5 = arith.constant 0 : i32
    %dma_start3A_6 = arith.constant 0 : i32
    %dma_start3A_7 = tpu.memref_slice %arg6[%dma_start3A_5, %dma_start3A_6] : memref<100000x128xf32, #tpu.memory_space<hbm>> -> memref<100000x128xf32, #tpu.memory_space<hbm>>
    tpu.enqueue_indirect_dma source(%dma_start3A_7 : memref<100000x128xf32, #tpu.memory_space<hbm>>) target(%arg15 : memref<128x128xf32, #tpu.memory_space<vmem>>) offsets(%arg12 : memref<128xi32, #tpu.memory_space<vmem>>) semaphore(%arg18 : memref<!tpu.dma_semaphore, #tpu.memory_space<semaphore_mem>>)
    %dma_start3A_8 = arith.constant 0 : i32
    %dma_start3A_9 = arith.constant 0 : i32
    %dma_start3A_10 = tpu.memref_slice %arg7[%dma_start3A_8, %dma_start3A_9] : memref<100000x128xf32, #tpu.memory_space<hbm>> -> memref<100000x128xf32, #tpu.memory_space<hbm>>
    tpu.enqueue_indirect_dma source(%dma_start3A_10 : memref<100000x128xf32, #tpu.memory_space<hbm>>) target(%arg16 : memref<128x128xf32, #tpu.memory_space<vmem>>) offsets(%arg13 : memref<128xi32, #tpu.memory_space<vmem>>) semaphore(%arg19 : memref<!tpu.dma_semaphore, #tpu.memory_space<semaphore_mem>>)
    %dma_wait3A = arith.constant 0 : i32
    %dma_wait3A_11 = arith.constant 0 : i32
    %dma_wait3A_12 = tpu.memref_slice %arg5[%dma_wait3A, %dma_wait3A_11] : memref<100000x128xf32, #tpu.memory_space<hbm>> -> memref<100000x128xf32, #tpu.memory_space<hbm>>
    tpu.wait_indirect_dma semaphore(%arg17 : memref<!tpu.dma_semaphore, #tpu.memory_space<semaphore_mem>>) src(%dma_wait3A_12 : memref<100000x128xf32, #tpu.memory_space<hbm>>) dst(%arg14 : memref<128x128xf32, #tpu.memory_space<vmem>>)
    "tpu.region"() ({
      %run_scoped3A = tpu.sem_alloc : memref<!tpu.dma_semaphore, #tpu.memory_space<semaphore_mem>>
      %dma_start3A_19 = arith.constant 0 : i32
      %dma_start3A_20 = tpu.memref_slice %arg8[%mul3A_2, %dma_start3A_19] : memref<4096x128xf32, #tpu.memory_space<hbm>> -> memref<128x128xf32, #tpu.memory_space<hbm>>
      %dma_start3A_21 = arith.constant 0 : i32
      %dma_start3A_22 = tpu.memref_slice %arg8[%mul3A_2, %dma_start3A_21] : memref<4096x128xf32, #tpu.memory_space<hbm>> -> memref<128x128xf32, #tpu.memory_space<hbm>>
      tpu.enqueue_dma source(%arg14 : memref<128x128xf32, #tpu.memory_space<vmem>>) target(%dma_start3A_22 : memref<128x128xf32, #tpu.memory_space<hbm>>) target_semaphore(%run_scoped3A : memref<!tpu.dma_semaphore, #tpu.memory_space<semaphore_mem>>)
      %dma_wait3A_23 = arith.constant 0 : i32
      %dma_wait3A_24 = tpu.memref_slice %arg8[%mul3A_2, %dma_wait3A_23] : memref<4096x128xf32, #tpu.memory_space<hbm>> -> memref<128x128xf32, #tpu.memory_space<hbm>>
      %dma_wait3A_25 = arith.constant 0 : i32
      %dma_wait3A_26 = tpu.memref_slice %arg8[%mul3A_2, %dma_wait3A_25] : memref<4096x128xf32, #tpu.memory_space<hbm>> -> memref<128x128xf32, #tpu.memory_space<hbm>>
      tpu.wait_dma2 semaphore(%run_scoped3A : memref<!tpu.dma_semaphore, #tpu.memory_space<semaphore_mem>>) src(%arg14 : memref<128x128xf32, #tpu.memory_space<vmem>>) dst(%dma_wait3A_26 : memref<128x128xf32, #tpu.memory_space<hbm>>)
      tpu.yield
    }) : () -> ()
    %dma_wait3A_13 = arith.constant 0 : i32
    %dma_wait3A_14 = arith.constant 0 : i32
    %dma_wait3A_15 = tpu.memref_slice %arg6[%dma_wait3A_13, %dma_wait3A_14] : memref<100000x128xf32, #tpu.memory_space<hbm>> -> memref<100000x128xf32, #tpu.memory_space<hbm>>
    tpu.wait_indirect_dma semaphore(%arg18 : memref<!tpu.dma_semaphore, #tpu.memory_space<semaphore_mem>>) src(%dma_wait3A_15 : memref<100000x128xf32, #tpu.memory_space<hbm>>) dst(%arg15 : memref<128x128xf32, #tpu.memory_space<vmem>>)
    "tpu.region"() ({
      %run_scoped3A = tpu.sem_alloc : memref<!tpu.dma_semaphore, #tpu.memory_space<semaphore_mem>>
      %dma_start3A_19 = arith.constant 0 : i32
      %dma_start3A_20 = tpu.memref_slice %arg9[%mul3A_2, %dma_start3A_19] : memref<4096x128xf32, #tpu.memory_space<hbm>> -> memref<128x128xf32, #tpu.memory_space<hbm>>
      %dma_start3A_21 = arith.constant 0 : i32
      %dma_start3A_22 = tpu.memref_slice %arg9[%mul3A_2, %dma_start3A_21] : memref<4096x128xf32, #tpu.memory_space<hbm>> -> memref<128x128xf32, #tpu.memory_space<hbm>>
      tpu.enqueue_dma source(%arg15 : memref<128x128xf32, #tpu.memory_space<vmem>>) target(%dma_start3A_22 : memref<128x128xf32, #tpu.memory_space<hbm>>) target_semaphore(%run_scoped3A : memref<!tpu.dma_semaphore, #tpu.memory_space<semaphore_mem>>)
      %dma_wait3A_23 = arith.constant 0 : i32
      %dma_wait3A_24 = tpu.memref_slice %arg9[%mul3A_2, %dma_wait3A_23] : memref<4096x128xf32, #tpu.memory_space<hbm>> -> memref<128x128xf32, #tpu.memory_space<hbm>>
      %dma_wait3A_25 = arith.constant 0 : i32
      %dma_wait3A_26 = tpu.memref_slice %arg9[%mul3A_2, %dma_wait3A_25] : memref<4096x128xf32, #tpu.memory_space<hbm>> -> memref<128x128xf32, #tpu.memory_space<hbm>>
      tpu.wait_dma2 semaphore(%run_scoped3A : memref<!tpu.dma_semaphore, #tpu.memory_space<semaphore_mem>>) src(%arg15 : memref<128x128xf32, #tpu.memory_space<vmem>>) dst(%dma_wait3A_26 : memref<128x128xf32, #tpu.memory_space<hbm>>)
      tpu.yield
    }) : () -> ()
    %dma_wait3A_16 = arith.constant 0 : i32
    %dma_wait3A_17 = arith.constant 0 : i32
    %dma_wait3A_18 = tpu.memref_slice %arg7[%dma_wait3A_16, %dma_wait3A_17] : memref<100000x128xf32, #tpu.memory_space<hbm>> -> memref<100000x128xf32, #tpu.memory_space<hbm>>
    tpu.wait_indirect_dma semaphore(%arg19 : memref<!tpu.dma_semaphore, #tpu.memory_space<semaphore_mem>>) src(%dma_wait3A_18 : memref<100000x128xf32, #tpu.memory_space<hbm>>) dst(%arg16 : memref<128x128xf32, #tpu.memory_space<vmem>>)
    "tpu.region"() ({
      %run_scoped3A = tpu.sem_alloc : memref<!tpu.dma_semaphore, #tpu.memory_space<semaphore_mem>>
      %dma_start3A_19 = arith.constant 0 : i32
      %dma_start3A_20 = tpu.memref_slice %arg10[%mul3A_2, %dma_start3A_19] : memref<4096x128xf32, #tpu.memory_space<hbm>> -> memref<128x128xf32, #tpu.memory_space<hbm>>
      %dma_start3A_21 = arith.constant 0 : i32
      %dma_start3A_22 = tpu.memref_slice %arg10[%mul3A_2, %dma_start3A_21] : memref<4096x128xf32, #tpu.memory_space<hbm>> -> memref<128x128xf32, #tpu.memory_space<hbm>>
      tpu.enqueue_dma source(%arg16 : memref<128x128xf32, #tpu.memory_space<vmem>>) target(%dma_start3A_22 : memref<128x128xf32, #tpu.memory_space<hbm>>) target_semaphore(%run_scoped3A : memref<!tpu.dma_semaphore, #tpu.memory_space<semaphore_mem>>)
      %dma_wait3A_23 = arith.constant 0 : i32
      %dma_wait3A_24 = tpu.memref_slice %arg10[%mul3A_2, %dma_wait3A_23] : memref<4096x128xf32, #tpu.memory_space<hbm>> -> memref<128x128xf32, #tpu.memory_space<hbm>>
      %dma_wait3A_25 = arith.constant 0 : i32
      %dma_wait3A_26 = tpu.memref_slice %arg10[%mul3A_2, %dma_wait3A_25] : memref<4096x128xf32, #tpu.memory_space<hbm>> -> memref<128x128xf32, #tpu.memory_space<hbm>>
      tpu.wait_dma2 semaphore(%run_scoped3A : memref<!tpu.dma_semaphore, #tpu.memory_space<semaphore_mem>>) src(%arg16 : memref<128x128xf32, #tpu.memory_space<vmem>>) dst(%dma_wait3A_26 : memref<128x128xf32, #tpu.memory_space<hbm>>)
      tpu.yield
    }) : () -> ()
    return
  }
}

module attributes {stable_mosaic.version = 14 : i64} {
  func.func @_mlp_body(%arg0: i32, %arg1: memref<1024x128xf32, #tpu.memory_space<vmem>>, %arg2: memref<1024x128xf32, #tpu.memory_space<vmem>>, %arg3: memref<1024x128xf32, #tpu.memory_space<vmem>>, %arg4: memref<1024x1xf32, #tpu.memory_space<vmem>>, %arg5: memref<64x1024xf32, #tpu.memory_space<vmem>>, %arg6: memref<64x1024xf32, #tpu.memory_space<vmem>>, %arg7: memref<64x1024xf32, #tpu.memory_space<vmem>>, %arg8: memref<1x1024xf32, #tpu.memory_space<vmem>>, %arg9: memref<1x1024xf32, #tpu.memory_space<vmem>>, %arg10: memref<1024x1xf32, #tpu.memory_space<vmem>>, %arg11: memref<1x1xf32, #tpu.memory_space<vmem>>, %arg12: memref<1024x1xf32, #tpu.memory_space<vmem>>) attributes {dimension_semantics = [#tpu.dimension_semantics<arbitrary>], iteration_bounds = array<i64: 4>, scalar_prefetch = 0 : i64, scratch_operands = 0 : i64, tpu.core_type = #tpu.core_type<tc>, window_params = [{transform_indices = @transform_0, window_bounds = array<i64: 1024, 128>}, {transform_indices = @transform_1, window_bounds = array<i64: 1024, 128>}, {transform_indices = @transform_2, window_bounds = array<i64: 1024, 128>}, {transform_indices = @transform_3, window_bounds = array<i64: 1024, 1>}, {pipeline_mode = #tpu.pipeline_mode<synchronous>, transform_indices = @transform_4, window_bounds = array<i64: 64, 1024>}, {pipeline_mode = #tpu.pipeline_mode<synchronous>, transform_indices = @transform_5, window_bounds = array<i64: 64, 1024>}, {pipeline_mode = #tpu.pipeline_mode<synchronous>, transform_indices = @transform_6, window_bounds = array<i64: 64, 1024>}, {pipeline_mode = #tpu.pipeline_mode<synchronous>, transform_indices = @transform_7, window_bounds = array<i64: 1, 1024>}, {pipeline_mode = #tpu.pipeline_mode<synchronous>, transform_indices = @transform_8, window_bounds = array<i64: 1, 1024>}, {pipeline_mode = #tpu.pipeline_mode<synchronous>, transform_indices = @transform_9, window_bounds = array<i64: 1024, 1>}, {pipeline_mode = #tpu.pipeline_mode<synchronous>, transform_indices = @transform_10, window_bounds = array<i64: 1, 1>}, {transform_indices = @transform_11, window_bounds = array<i64: 1024, 1>}]} {
    %get3A = arith.constant 0 : index
    %get3A_0 = arith.constant 0 : index
    %get3A_1 = vector.load %arg1[%get3A, %get3A_0] : memref<1024x128xf32, #tpu.memory_space<vmem>>, vector<1024x64xf32>
    %get3A_2 = arith.constant 0 : index
    %get3A_3 = arith.constant 0 : index
    %get3A_4 = vector.load %arg5[%get3A_2, %get3A_3] : memref<64x1024xf32, #tpu.memory_space<vmem>>, vector<64x1024xf32>
    %dot_general3A = arith.constant dense<0.000000e+00> : vector<1024x1024xf32>
    %dot_general3A_5 = tpu.matmul %get3A_1, %get3A_4, %dot_general3A {dimension_numbers = #tpu.dot_dimension_numbers<[1], [0], [0], [1], [0, 0, 1, 1], [], []>, transpose_lhs_hint = false} : vector<1024x64xf32>, vector<64x1024xf32>, vector<1024x1024xf32> -> vector<1024x1024xf32>
    %get3A_6 = arith.constant 0 : index
    %get3A_7 = arith.constant 0 : index
    %get3A_8 = vector.load %arg2[%get3A_6, %get3A_7] : memref<1024x128xf32, #tpu.memory_space<vmem>>, vector<1024x64xf32>
    %get3A_9 = arith.constant 0 : index
    %get3A_10 = arith.constant 0 : index
    %get3A_11 = vector.load %arg6[%get3A_9, %get3A_10] : memref<64x1024xf32, #tpu.memory_space<vmem>>, vector<64x1024xf32>
    %dot_general3A_12 = arith.constant dense<0.000000e+00> : vector<1024x1024xf32>
    %dot_general3A_13 = tpu.matmul %get3A_8, %get3A_11, %dot_general3A_12 {dimension_numbers = #tpu.dot_dimension_numbers<[1], [0], [0], [1], [0, 0, 1, 1], [], []>, transpose_lhs_hint = false} : vector<1024x64xf32>, vector<64x1024xf32>, vector<1024x1024xf32> -> vector<1024x1024xf32>
    %add3A = arith.addf %dot_general3A_5, %dot_general3A_13 : vector<1024x1024xf32>
    %get3A_14 = arith.constant 0 : index
    %get3A_15 = arith.constant 0 : index
    %get3A_16 = vector.load %arg3[%get3A_14, %get3A_15] : memref<1024x128xf32, #tpu.memory_space<vmem>>, vector<1024x64xf32>
    %get3A_17 = arith.constant 0 : index
    %get3A_18 = arith.constant 0 : index
    %get3A_19 = vector.load %arg7[%get3A_17, %get3A_18] : memref<64x1024xf32, #tpu.memory_space<vmem>>, vector<64x1024xf32>
    %dot_general3A_20 = arith.constant dense<0.000000e+00> : vector<1024x1024xf32>
    %dot_general3A_21 = tpu.matmul %get3A_16, %get3A_19, %dot_general3A_20 {dimension_numbers = #tpu.dot_dimension_numbers<[1], [0], [0], [1], [0, 0, 1, 1], [], []>, transpose_lhs_hint = false} : vector<1024x64xf32>, vector<64x1024xf32>, vector<1024x1024xf32> -> vector<1024x1024xf32>
    %add3A_22 = arith.addf %add3A, %dot_general3A_21 : vector<1024x1024xf32>
    %get3A_23 = arith.constant 0 : index
    %get3A_24 = arith.constant 0 : index
    %get3A_25 = vector.load %arg4[%get3A_23, %get3A_24] : memref<1024x1xf32, #tpu.memory_space<vmem>>, vector<1024x1xf32>
    %get3A_26 = arith.constant 0 : index
    %get3A_27 = arith.constant 0 : index
    %get3A_28 = vector.load %arg8[%get3A_26, %get3A_27] : memref<1x1024xf32, #tpu.memory_space<vmem>>, vector<1x1024xf32>
    %mul3A = vector.broadcast %get3A_25 : vector<1024x1xf32> to vector<1024x1024xf32>
    %mul3A_29 = vector.broadcast %get3A_28 : vector<1x1024xf32> to vector<1024x1024xf32>
    %mul3A_30 = arith.mulf %mul3A, %mul3A_29 : vector<1024x1024xf32>
    %add3A_31 = arith.addf %add3A_22, %mul3A_30 : vector<1024x1024xf32>
    %get3A_32 = arith.constant 0 : index
    %get3A_33 = arith.constant 0 : index
    %get3A_34 = vector.load %arg9[%get3A_32, %get3A_33] : memref<1x1024xf32, #tpu.memory_space<vmem>>, vector<1x1024xf32>
    %add3A_35 = vector.broadcast %get3A_34 : vector<1x1024xf32> to vector<1024x1024xf32>
    %add3A_36 = arith.addf %add3A_31, %add3A_35 : vector<1024x1024xf32>
    %mul3A_37 = arith.constant 0.636619746 : f32
    %mul3A_38 = vector.broadcast %mul3A_37 : f32 to vector<1024x1024xf32>
    %mul3A_39 = arith.mulf %add3A_36, %mul3A_38 : vector<1024x1024xf32>
    %round3A = math.roundeven %mul3A_39 : vector<1024x1024xf32>
    %convert_element_type3A = arith.fptosi %round3A : vector<1024x1024xf32> to vector<1024x1024xi32>
    %mul3A_40 = arith.constant 1.57078552 : f32
    %mul3A_41 = vector.broadcast %mul3A_40 : f32 to vector<1024x1024xf32>
    %mul3A_42 = arith.mulf %round3A, %mul3A_41 : vector<1024x1024xf32>
    %sub3A = arith.subf %add3A_36, %mul3A_42 : vector<1024x1024xf32>
    %mul3A_43 = arith.constant 1.08043341E-5 : f32
    %mul3A_44 = vector.broadcast %mul3A_43 : f32 to vector<1024x1024xf32>
    %mul3A_45 = arith.mulf %round3A, %mul3A_44 : vector<1024x1024xf32>
    %sub3A_46 = arith.subf %sub3A, %mul3A_45 : vector<1024x1024xf32>
    %mul3A_47 = arith.constant 6.077100e-11 : f32
    %mul3A_48 = vector.broadcast %mul3A_47 : f32 to vector<1024x1024xf32>
    %mul3A_49 = arith.mulf %round3A, %mul3A_48 : vector<1024x1024xf32>
    %sub3A_50 = arith.subf %sub3A_46, %mul3A_49 : vector<1024x1024xf32>
    %mul3A_51 = arith.mulf %sub3A_50, %sub3A_50 : vector<1024x1024xf32>
    %mul3A_52 = arith.constant 2.44331568E-5 : f32
    %mul3A_53 = vector.broadcast %mul3A_52 : f32 to vector<1024x1024xf32>
    %mul3A_54 = arith.mulf %mul3A_53, %mul3A_51 : vector<1024x1024xf32>
    %sub3A_55 = arith.constant 0.00138873165 : f32
    %sub3A_56 = vector.broadcast %sub3A_55 : f32 to vector<1024x1024xf32>
    %sub3A_57 = arith.subf %mul3A_54, %sub3A_56 : vector<1024x1024xf32>
    %mul3A_58 = arith.mulf %sub3A_57, %mul3A_51 : vector<1024x1024xf32>
    %add3A_59 = arith.constant 0.0416666456 : f32
    %add3A_60 = vector.broadcast %add3A_59 : f32 to vector<1024x1024xf32>
    %add3A_61 = arith.addf %mul3A_58, %add3A_60 : vector<1024x1024xf32>
    %mul3A_62 = arith.mulf %add3A_61, %mul3A_51 : vector<1024x1024xf32>
    %mul3A_63 = arith.mulf %mul3A_62, %mul3A_51 : vector<1024x1024xf32>
    %mul3A_64 = arith.constant 5.000000e-01 : f32
    %mul3A_65 = vector.broadcast %mul3A_64 : f32 to vector<1024x1024xf32>
    %mul3A_66 = arith.mulf %mul3A_65, %mul3A_51 : vector<1024x1024xf32>
    %sub3A_67 = arith.subf %mul3A_63, %mul3A_66 : vector<1024x1024xf32>
    %add3A_68 = arith.constant 1.000000e+00 : f32
    %add3A_69 = vector.broadcast %add3A_68 : f32 to vector<1024x1024xf32>
    %add3A_70 = arith.addf %sub3A_67, %add3A_69 : vector<1024x1024xf32>
    %mul3A_71 = arith.constant -1.95152956E-4 : f32
    %mul3A_72 = vector.broadcast %mul3A_71 : f32 to vector<1024x1024xf32>
    %mul3A_73 = arith.mulf %mul3A_72, %mul3A_51 : vector<1024x1024xf32>
    %add3A_74 = arith.constant 0.00833216123 : f32
    %add3A_75 = vector.broadcast %add3A_74 : f32 to vector<1024x1024xf32>
    %add3A_76 = arith.addf %mul3A_73, %add3A_75 : vector<1024x1024xf32>
    %mul3A_77 = arith.mulf %add3A_76, %mul3A_51 : vector<1024x1024xf32>
    %sub3A_78 = arith.constant 0.166666552 : f32
    %sub3A_79 = vector.broadcast %sub3A_78 : f32 to vector<1024x1024xf32>
    %sub3A_80 = arith.subf %mul3A_77, %sub3A_79 : vector<1024x1024xf32>
    %mul3A_81 = arith.mulf %sub3A_80, %mul3A_51 : vector<1024x1024xf32>
    %mul3A_82 = arith.mulf %mul3A_81, %sub3A_50 : vector<1024x1024xf32>
    %add3A_83 = arith.addf %mul3A_82, %sub3A_50 : vector<1024x1024xf32>
    %and3A = arith.constant 1 : i32
    %and3A_84 = vector.broadcast %and3A : i32 to vector<1024x1024xi32>
    %and3A_85 = arith.andi %convert_element_type3A, %and3A_84 : vector<1024x1024xi32>
    %shift_right_arithmetic3A = arith.constant 1 : i32
    %shift_right_arithmetic3A_86 = vector.broadcast %shift_right_arithmetic3A : i32 to vector<1024x1024xi32>
    %shift_right_arithmetic3A_87 = arith.shrsi %convert_element_type3A, %shift_right_arithmetic3A_86 : vector<1024x1024xi32>
    %and3A_88 = arith.constant 1 : i32
    %and3A_89 = vector.broadcast %and3A_88 : i32 to vector<1024x1024xi32>
    %and3A_90 = arith.andi %shift_right_arithmetic3A_87, %and3A_89 : vector<1024x1024xi32>
    %eq3A = arith.constant 1 : i32
    %eq3A_91 = vector.broadcast %eq3A : i32 to vector<1024x1024xi32>
    %eq3A_92 = arith.cmpi eq, %and3A_85, %eq3A_91 : vector<1024x1024xi32>
    %select_n3A = arith.select %eq3A_92, %add3A_83, %add3A_70 : vector<1024x1024xi1>, vector<1024x1024xf32>
    %xor3A = arith.xori %and3A_85, %and3A_90 : vector<1024x1024xi32>
    %eq3A_93 = arith.constant 1 : i32
    %eq3A_94 = vector.broadcast %eq3A_93 : i32 to vector<1024x1024xi32>
    %eq3A_95 = arith.cmpi eq, %xor3A, %eq3A_94 : vector<1024x1024xi32>
    %neg3A = arith.constant 0.000000e+00 : f32
    %neg3A_96 = vector.broadcast %neg3A : f32 to vector<1024x1024xf32>
    %neg3A_97 = arith.subf %neg3A_96, %select_n3A : vector<1024x1024xf32>
    %select_n3A_98 = arith.select %eq3A_95, %neg3A_97, %select_n3A : vector<1024x1024xi1>, vector<1024x1024xf32>
    %mul3A_99 = arith.constant 0.0441941731 : f32
    %mul3A_100 = vector.broadcast %mul3A_99 : f32 to vector<1024x1024xf32>
    %mul3A_101 = arith.mulf %select_n3A_98, %mul3A_100 : vector<1024x1024xf32>
    %get3A_102 = arith.constant 0 : index
    %get3A_103 = arith.constant 0 : index
    %get3A_104 = vector.load %arg10[%get3A_102, %get3A_103] : memref<1024x1xf32, #tpu.memory_space<vmem>>, vector<1024x1xf32>
    %dot_general3A_105 = arith.constant dense<0.000000e+00> : vector<1024x1xf32>
    %dot_general3A_106 = tpu.matmul %mul3A_101, %get3A_104, %dot_general3A_105 {dimension_numbers = #tpu.dot_dimension_numbers<[1], [0], [0], [1], [0, 0, 1, 1], [], []>, transpose_lhs_hint = false} : vector<1024x1024xf32>, vector<1024x1xf32>, vector<1024x1xf32> -> vector<1024x1xf32>
    %get3A_107 = arith.constant 0 : index
    %get3A_108 = arith.constant 0 : index
    %get3A_109 = vector.load %arg11[%get3A_107, %get3A_108] : memref<1x1xf32, #tpu.memory_space<vmem>>, vector<1x1xf32>
    %add3A_110 = vector.broadcast %get3A_109 : vector<1x1xf32> to vector<1024x1xf32>
    %add3A_111 = arith.addf %dot_general3A_106, %add3A_110 : vector<1024x1xf32>
    %swap3A = arith.constant 0 : index
    %swap3A_112 = arith.constant 0 : index
    %swap3A_113 = vector.load %arg12[%swap3A, %swap3A_112] : memref<1024x1xf32, #tpu.memory_space<vmem>>, vector<1024x1xf32>
    tpu.vector_store %arg12[%swap3A, %swap3A_112], %add3A_111 {strides = array<i32>} : memref<1024x1xf32, #tpu.memory_space<vmem>>, vector<1024x1xf32>,
    return
  }
  func.func @transform_0(%arg0: i32) -> (i32, i32) {
    %c0_i32 = arith.constant 0 : i32
    %c0_i32_0 = arith.constant 0 : i32
    return %arg0, %c0_i32 : i32, i32
  }
  func.func @transform_1(%arg0: i32) -> (i32, i32) {
    %c0_i32 = arith.constant 0 : i32
    %c0_i32_0 = arith.constant 0 : i32
    return %arg0, %c0_i32 : i32, i32
  }
  func.func @transform_2(%arg0: i32) -> (i32, i32) {
    %c0_i32 = arith.constant 0 : i32
    %c0_i32_0 = arith.constant 0 : i32
    return %arg0, %c0_i32 : i32, i32
  }
  func.func @transform_3(%arg0: i32) -> (i32, i32) {
    %c0_i32 = arith.constant 0 : i32
    %c0_i32_0 = arith.constant 0 : i32
    return %arg0, %c0_i32 : i32, i32
  }
  func.func @transform_4(%arg0: i32) -> (i32, i32) {
    %c0_i32 = arith.constant 0 : i32
    %c0_i32_0 = arith.constant 0 : i32
    %c0_i32_1 = arith.constant 0 : i32
    return %c0_i32, %c0_i32_0 : i32, i32
  }
  func.func @transform_5(%arg0: i32) -> (i32, i32) {
    %c0_i32 = arith.constant 0 : i32
    %c0_i32_0 = arith.constant 0 : i32
    %c0_i32_1 = arith.constant 0 : i32
    return %c0_i32, %c0_i32_0 : i32, i32
  }
  func.func @transform_6(%arg0: i32) -> (i32, i32) {
    %c0_i32 = arith.constant 0 : i32
    %c0_i32_0 = arith.constant 0 : i32
    %c0_i32_1 = arith.constant 0 : i32
    return %c0_i32, %c0_i32_0 : i32, i32
  }
  func.func @transform_7(%arg0: i32) -> (i32, i32) {
    %c0_i32 = arith.constant 0 : i32
    %c0_i32_0 = arith.constant 0 : i32
    %c0_i32_1 = arith.constant 0 : i32
    return %c0_i32, %c0_i32_0 : i32, i32
  }
  func.func @transform_8(%arg0: i32) -> (i32, i32) {
    %c0_i32 = arith.constant 0 : i32
    %c0_i32_0 = arith.constant 0 : i32
    %c0_i32_1 = arith.constant 0 : i32
    return %c0_i32, %c0_i32_0 : i32, i32
  }
  func.func @transform_9(%arg0: i32) -> (i32, i32) {
    %c0_i32 = arith.constant 0 : i32
    %c0_i32_0 = arith.constant 0 : i32
    %c0_i32_1 = arith.constant 0 : i32
    return %c0_i32, %c0_i32_0 : i32, i32
  }
  func.func @transform_10(%arg0: i32) -> (i32, i32) {
    %c0_i32 = arith.constant 0 : i32
    %c0_i32_0 = arith.constant 0 : i32
    %c0_i32_1 = arith.constant 0 : i32
    return %c0_i32, %c0_i32_0 : i32, i32
  }
  func.func @transform_11(%arg0: i32) -> (i32, i32) {
    %c0_i32 = arith.constant 0 : i32
    %c0_i32_0 = arith.constant 0 : i32
    return %arg0, %c0_i32 : i32, i32
  }
}

</mosaic_0001>

<sc_bundles>
// kernel: kernel.4.cloned.1.call-start
scs
__scs_entry_jumppad:
0x0: {  	(pc) =	sbr.rel $0x88, $3  }
0x1: {  	(tag) =	ssettag $0x0;
	lr =	simm.s32 $0x1  }
0x2: {  	[smem:$0x3F98] =	sst lr;
	_ =	strace $0xD0000000  }
0x3: {  	_ = 	snop  }
0x4: {  	_ = 	snop  }
0x5: {  	_ = 	snop  }
0x6: {  	_ = 	snop  }
0x7: {  	_ = 	snop  }
__scs_overlays_trampoline_lowered:
0x8: {  	[smem:$0x3FA7] =	sst s0  }
0x9: {  	[smem:$0x3FA8] =	sst s1  }
0xa: {  	[smem:$0x3FA9] =	sst s2  }
0xb: {  	[smem:$0x3FAA] =	sst s3  }
0xc: {  	[smem:$0x3FAB] =	sst s4  }
0xd: {  	[smem:$0x3FAC] =	sst s5  }
0xe: {  	[smem:$0x3FAD] =	sst s6  }
0xf: {  	[smem:$0x3FAE] =	sst s7  }
0x10: {  	[smem:$0x3FAF] =	sst s8  }
0x11: {  	[smem:$0x3FB0] =	sst s9;
	s0 =	simm.s32 @!p0 $0x0  }
0x12: {  	s1 =	sld [smem:$0x3F96];
	s0 =	simm.s32 @p0 $0x1  }
0x13: {  	[smem:$0x3FB1] =	sst s0;
	s0 =	simm.s32 @!p1 $0x0  }
0x14: {  	s2 =	sld [smem:$0x3F95];
	s0 =	simm.s32 @p1 $0x1  }
0x15: {  	[smem:$0x3FB2] =	sst s0;
	s0 =	simm.s32 @!p2 $0x0  }
0x16: {  	s3 =	sld [smem:$0x3FDB];
	s0 =	simm.s32 @p2 $0x1  }
0x17: {  	s4 =	simm.s32 $0x1BF5;
	[smem:$0x3FB4] =	sst s0  }
0x18: {  	s0 =	sld [smem:$0x3F97];
	_ =	swait.ge [sflag:s4], $0x0  }
0x19: {  	s7 =	sld [smem:$0x3F98]  }
0x1a: {  	s8 =	sadd.s32 $0xFFFFE003, lr  }
0x1b: {  	s9 =	sadd.s32 $0xFFFFFEF7, lr;
	s5 =	simm.s32 $0xFFFFFFFF;
	p2 =	slt.u32 s8, $0xFFFFF086  }
0x1c: {  	p1 =	slt.u32 s9, $0xF7A;
	s5 =	simm.s32 @!p2 $0x0  }
0x1d: {  	s5 =	simm.s32 @p1 $0x1;
	p0 =	seq.s32 s7, s2  }
0x1e: {  	s7 =	smul.u32 @!p0 $0xF7A, s2;
	p2 =	seq.s32 @!p0 s5, $0x0  }
0x1f: {  	s9 =	smul.u32 $0xF7A, s1;
	s8 =	simm.s32 @!p0 $0x1BF5;
	p2 =	por !p2, p0  }
0x20: {  	[sflag:s8] =	ssyncset.s32 @!p0 $0xFFFFF086;
	s6 =	sadd.s32 @!p0 s3, s7;
	s7 =	simm.s32 @!p0 $0x108  }
0x21: {  	s3 =	sadd.s32 s3, s9;
	s6 =	sadd.s32 @!p0 $0x88, s6;
	s7 =	simm.s32 @p2 $0x1082  }
0x22: {  	[simem:s7], [sflag:s8] =	dma.local @!p0 [hbm:s6], $0xF7A  }
0x23: {  	s9 =	sor.u32 $0xD0000000, s2;
	s6 =	simm.s32 $0x108;
	_ =	swait.ge @!p0 [sflag:s8], $0x0  }
0x24: {  	s3 =	sadd.s32 $0x88, s3;
	s6 =	simm.s32 @!p1 $0x1082;
	[sflag:s4] =	ssyncset.s32 $0xFFFFF086  }
0x25: {  	[simem:s6], [sflag:s4] =	dma.local [hbm:s3], $0xF7A  }
0x26: {  	[smem:$0x3F98] =	sst s1;
	(tag) =	ssettag s2;
	_ =	strace s9  }
0x27: {  	s1 =	sld [smem:$0x3FA8]  }
0x28: {  	s2 =	sld [smem:$0x3FA9]  }
0x29: {  	s4 =	sld [smem:$0x3FAB]  }
0x2a: {  	p0 =	seq.s32 s5, $0x0;
	s5 =	sld [smem:$0x3FAC]  }
0x2b: {  	s6 =	sld [smem:$0x3FAD]  }
0x2c: {  	s7 =	sld [smem:$0x3FAE]  }
0x2d: {  	s3 =	simm.s32 $0x108;
	s8 =	sld [smem:$0x3FAF]  }
0x2e: {  	s3 =	simm.s32 @!p0 $0x1082;
	s9 =	sld [smem:$0x3FB0]  }
0x2f: {  	lr =	sadd.s32 s0, s3;
	s0 =	sld [smem:$0x3FA7]  }
0x30: {  	s3 =	sld [smem:$0x3FAA]  }
0x31: {  	[smem:$0x3FB3] =	sst s10  }
0x32: {  	s10 =	sld [smem:$0x3FB1];
	_ =	sdelay $0x3  }
0x33: {  	p0 =	seq.s32 s10, $0x1;
	s10 =	sld [smem:$0x3FB3];
	_ =	sdelay $0x3  }
0x34: {  	[smem:$0x3FB3] =	sst s10  }
0x35: {  	s10 =	sld [smem:$0x3FB2];
	_ =	sdelay $0x3  }
0x36: {  	p1 =	seq.s32 s10, $0x1;
	s10 =	sld [smem:$0x3FB3];
	_ =	sdelay $0x3  }
0x37: {  	[smem:$0x3FB3] =	sst s10  }
0x38: {  	s10 =	sld [smem:$0x3FB4]  }
0x39: {  	_ = 	snop;
	(pc) =	sbr.ind lr, $3  }
0x3a: {  	_ = 	snop  }
0x3b: {  	_ = 	snop  }
0x3c: {  	p2 =	seq.s32 s10, $0x1;
	s10 =	sld [smem:$0x3FB3]  }
0x3d: {  	_ =	shalt  }
0x3e: {  	_ =	shalt  }
0x3f: {  	_ =	shalt  }
0x40: {  	_ =	shalt  }
0x41: {  	_ =	shalt  }
0x42: {  	_ =	shalt  }
0x43: {  	_ =	shalt  }
0x44: {  	_ =	shalt  }
0x45: {  	_ =	shalt  }
0x46: {  	_ =	shalt  }
0x47: {  	_ =	shalt  }
0x48: {  	_ =	shalt  }
0x49: {  	_ =	shalt  }
0x4a: {  	_ =	shalt  }
0x4b: {  	_ =	shalt  }
0x4c: {  	_ =	shalt  }
0x4d: {  	_ =	shalt  }
0x4e: {  	_ =	shalt  }
0x4f: {  	_ =	shalt  }
0x50: {  	_ =	shalt  }
0x51: {  	_ =	shalt  }
0x52: {  	_ =	shalt  }
0x53: {  	_ =	shalt  }
0x54: {  	_ =	shalt  }
0x55: {  	_ =	shalt  }
0x56: {  	_ =	shalt  }
0x57: {  	_ =	shalt  }
0x58: {  	_ =	shalt  }
0x59: {  	_ =	shalt  }
0x5a: {  	_ =	shalt  }
0x5b: {  	_ =	shalt  }
0x5c: {  	_ =	shalt  }
0x5d: {  	_ =	shalt  }
0x5e: {  	_ =	shalt  }
0x5f: {  	_ =	shalt  }
0x60: {  	_ =	shalt  }
0x61: {  	_ =	shalt  }
0x62: {  	_ =	shalt  }
0x63: {  	_ =	shalt  }
0x64: {  	_ =	shalt  }
0x65: {  	_ =	shalt  }
0x66: {  	_ =	shalt  }
0x67: {  	_ =	shalt  }
0x68: {  	_ =	shalt  }
0x69: {  	_ =	shalt  }
0x6a: {  	_ =	shalt  }
0x6b: {  	_ =	shalt  }
0x6c: {  	_ =	shalt  }
0x6d: {  	_ =	shalt  }
0x6e: {  	_ =	shalt  }
0x6f: {  	_ =	shalt  }
0x70: {  	_ =	shalt  }
0x71: {  	_ =	shalt  }
0x72: {  	_ =	shalt  }
0x73: {  	_ =	shalt  }
0x74: {  	_ =	shalt  }
0x75: {  	_ =	shalt  }
0x76: {  	_ =	shalt  }
0x77: {  	_ =	shalt  }
0x78: {  	_ =	shalt  }
0x79: {  	_ =	shalt  }
0x7a: {  	_ =	shalt  }
0x7b: {  	_ =	shalt  }
0x7c: {  	_ =	shalt  }
0x7d: {  	_ =	shalt  }
0x7e: {  	_ =	shalt  }
0x7f: {  	_ =	shalt  }
0x80: {  	_ =	shalt  }
0x81: {  	_ =	shalt  }
0x82: {  	_ =	shalt  }
0x83: {  	_ =	shalt  }
0x84: {  	_ =	shalt  }
0x85: {  	_ =	shalt  }
0x86: {  	_ =	shalt  }
0x87: {  	_ =	shalt  }
.Lfunc_end0:
.L_simem_size_0:
called_computation_lowered:
.L_overlay_start_0:
0x88: {  	s2 =	sld [smem:$0x3FD9]  }
0x89: {  	s3 =	sld [smem:$0x3FFE];
	_ =	sdelay $0x1  }
0x8a: {  	s1 =	srdreg.scid  }
0x8b: {  	s0 =	sand.u32 $0x1, s1  }
0x8c: {  	s17 =	sshll.u32 s0, $0xA;
	s2 =	sadd.s32 s3, s2  }
0x8d: {  	s2 =	sadd.s32 s2, s17  }
0x8e: {  	[smem:$0x3FBF] =	sst s2  }
0x8f: {  	_ = 	snop  }
0x90: {  	s2 =	sld [smem:$0x3FD0];
	(tm) =	ssettm $0x1  }
0x91: {  	s18 =	sld [smem:$0x3FFB];
	_ =	sdelay $0x3  }
0x92: {  	_ =	strace s18  }
0x93: {  	s3 =	sld [smem:$0x3FFC];
	_ =	sdelay $0x3  }
0x94: {  	_ =	strace s3  }
0x95: {  	s3 =	sld [smem:$0x3FFD];
	_ =	sdelay $0x3  }
0x96: {  	_ =	strace s3  }
0x97: {  	_ =	strace $0x8FFFFFFF  }
0x98: {  	s19 =	sld [smem:$0x3FDB];
	_ =	sdelay $0x1  }
0x99: {  	s4 =	simm.s32 $_scs_section_size  }
0x9a: {  	s5 =	simm.s32 $_size__tile_overlayer_lowered;
	s6 =	simm.s32 $_tile_overlayer_lowered  }
0x9b: {  	s22 =	simm.s32 $0x1BFF;
	s21 =	sshll.u32 s6, $0x1;
	s3 =	sadd.s32 s4, s19  }
0x9c: {  	s7 =	simm.s32 $0x0;
	s20 =	sshll.u32 s5, $0x1;
	s5 =	sadd.s32 s21, s3  }
0x9d: {  	[timem:s7], [sflag:s22] =	dma.local [hbm:s5], s20  }
0x9e: {  	_ =	swait.ge [sflag:s22], s20  }
0x9f: {  	s4 =	ssub.s32 $0x0, s20;
	[sflag:s22] =	ssyncset.done $0x0  }
0xa0: {  	[sflag:s22] =	ssyncadd.s32 s4;
	_ =	sdelay $0x1  }
0xa1: {  	s23 =	simm.s32 $0x1B8B  }
0xa2: {  	_ =	swait.ge [sflag:s23], $0x1  }
0xa3: {  	[sflag:s23] =	ssyncset.done $0x0  }
0xa4: {  	s25 =	simm.s32 $0x1B8E;
	s24 =	sld [smem:$0x3FFE];
	[sflag:s23] =	ssyncadd.s32 $0xFFFFFFFF  }
0xa5: {  	s26 =	simm.s32 $execute0_lowered;
	[smem:$0x3FD2] =	sst s25  }
0xa6: {  	s5 =	sshll.u32 s26, $0x1;
	_ =	strace $0x80000046;
	[dreg:$0x1] =	wrdreg $0xFFFFFFFF  }
0xa7: {  	s28 =	simm.s32 $_size_execute0_lowered;
	s3 =	sadd.s32 s3, s5;
	[dreg:$0x0] =	wrdreg $0x0  }
0xa8: {  	s5 =	sshll.u32 s28, $0x1;
	[dreg:$0x2] =	wrdreg s3  }
0xa9: {  	[dreg:$0x3] =	wrdreg s5  }
0xaa: {  	[dreg:$0x4] =	wrdreg $0xC0  }
0xab: {  	_ =	task [dreg:s7], $0x5FFFF  }
0xac: {  	[dreg:$0x1] =	wrdreg $0xFFFFFFFF  }
0xad: {  	[dreg:$0x0] =	wrdreg $0x60  }
0xae: {  	[dreg:$0x2] =	wrdreg s24  }
0xaf: {  	[dreg:$0x3] =	wrdreg s2  }
0xb0: {  	[dreg:$0x4] =	wrdreg $0x9  }
0xb1: {  	_ =	task.clear_ibuf [dreg:s7], $0x5FFFF;
	_ =	strace $0x90000046  }
0xb2: {  	s29 =	simm.s32 $0x9;
	_ =	strace $0x80000048  }
0xb3: {  	_ =	swait.ge [sflag:s29], $0x1  }
0xb4: {  	[sflag:s29] =	ssyncadd.s32 $0xFFFFFFFF  }
0xb5: {  	_ =	strace $0x90000048  }
0xb6: {  	_ =	sfence  }
0xb7: {  	s30 =	sld [smem:$0x0];
	_ =	sdelay $0x2  }
0xb8: {  	s31 =	sshll.u32 s1, $0xD;
	s1 =	sshrl.u32 s1, $0x2  }
0xb9: {  	s3 =	sand.u32 $0x4000, s31;
	s1 =	sadd.s32 s1, s30  }
0xba: {  	s0 =	sor.u32 s3, s0;
	s1 =	sshll.u32 s1, $0x11  }
0xbb: {  	s0 =	sor.u32 s1, s0  }
0xbc: {  	s0 =	sadd.s32 $0x8F2B, s0  }
0xbd: {  	[sflag:s0] =	ssyncadd.remote.s32 $0x1  }
0xbe: {  	_ =	sfence.sel $0xFFFF  }
0xbf: {  	[dreg:$0x0] =	wrdreg $0xFFFFFFFF;
	(pc) =	sbr.abs _section_cstart, $3  }
0xc0: {  	[dreg:$0x1] =	wrdreg $0xFFFFFFFF  }
0xc1: {  	_ =	task.clear_ibuf [dreg:s7], $0x2FFFF;
	_ =	strace $0x9FFFFFFF  }
0xc2: {  	(tm) =	ssettm $0x7FFFFFFF  }
0xc3: {  	_ =	shalt  }
tec
execute0_lowered:
.L_overlay_start_1:
0x0: {  	(tag) =	ssettag $0x1  }
0x1: {  	s1 =	srdreg.scid  }
0x2: {  	s0 =	stileid.u32;
	s19 =	sand.u32 $0x1, s1  }
0x3: {  	s31 =	sshll.u32 s0, $0x8;
	s2 =	sshll.u32 s19, $0x7  }
0x4: {  	s16 =	rddreg [dreg:$0x0];
	s17 =	sor.u32 s2, s31  }
0x5: {  	s7 =	rddreg [dreg:$0x1];
	s2 =	simm.s32 $0x0;
	s8 =	sshrl.u32 s17, $0x3  }
0x6: {  	s3 =	simm.s32 $0x4;
	[smem:$0x7FF] =	sst s2;
	s5 =	sadd.s32 s8, s16  }
0x7: {  	s1 =	rddreg [dreg:$0x2];
	_ =	strace $0x80000047;
	s4 =	sadd.s32 $0x3A00, s5  }
0x8: {  	[tilespmem:s2], [sflag:$0x4] =	stream.linear.gather [hbm4b:s4+s2], $0x80, $0x38;
	[tilespmem:$0xC180] =	vst v63  }
0x9: {  	_ =	swait.ge [sflag:s3], $0x80  }
0xa: {  	[sflag:s3] =	ssyncset.done $0x0  }
0xb: {  	s6 =	simm.s32 $0x80;
	s5 =	sadd.s32 $0x3800, s5;
	[sflag:s3] =	ssyncadd.s32 $0xFFFFFF80  }
0xc: {  	[tilespmem:s6], [sflag:$0x4] =	stream.linear.gather [hbm4b:s5+s2], $0x80, $0x38;
	[tilespmem:$0xC180] =	vst v63  }
0xd: {  	_ =	swait.ge [sflag:s3], $0x80  }
0xe: {  	[sflag:s3] =	ssyncset.done $0x0  }
0xf: {  	s7 =	sadd.s32 s7, s8;
	s8 =	simm.s32 $0x100;
	[sflag:s3] =	ssyncadd.s32 $0xFFFFFF80  }
0x10: {  	[tilespmem:s8], [sflag:$0x4] =	stream.linear.gather [hbm4b:s7+s2], $0x80, $0x38;
	[tilespmem:$0xC180] =	vst v63  }
0x11: {  	_ =	swait.ge [sflag:s3], $0x80  }
0x12: {  	[sflag:s3] =	ssyncset.done $0x0  }
0x13: {  	s10 =	simm.s32 $0x180;
	s9 =	sadd.s32 $0x311000, s16;
	[sflag:s3] =	ssyncadd.s32 $0xFFFFFF80  }
0x14: {  	[tilespmem:s10], [sflag:$0x1] =	stream.indirect.gather [hbm4b:s9+s6], $0x80, s2, s6, $0xb8;
	[tilespmem:$0xC180] =	vst v63  }
0x15: {  	s12 =	simm.s32 $0x4180;
	s11 =	sadd.s32 $0x3C00, s16  }
0x16: {  	[tilespmem:s12], [sflag:$0x2] =	stream.indirect.gather [hbm4b:s11+s6], $0x80, s6, s6, $0xb8;
	[tilespmem:$0xC180] =	vst v63  }
0x17: {  	s14 =	simm.s32 $0x8180;
	s15 =	simm.s32 $0x1;
	s13 =	sadd.s32 $0x497A00, s16  }
0x18: {  	[tilespmem:s14], [sflag:$0x3] =	stream.indirect.gather [hbm4b:s13+s6], $0x80, s8, s6, $0xb8;
	[tilespmem:$0xC180] =	vst v63  }
0x19: {  	s17 =	sshll.u32 s17, $0x4;
	_ =	swait.ge [sflag:s15], $0x4000  }
0x1a: {  	s20 =	sadd.s32 s17, s16;
	[sflag:s15] =	ssyncset.done $0x0  }
0x1b: {  	s16 =	sadd.s32 $0x18A600, s20;
	[sflag:s15] =	ssyncadd.s32 $0xFFFFC000  }
0x1c: {  	[hbm4b:s16+s2] =	stream.linear.scatter [tilespmem:s10], [sflag:$0x4], $0x4000, $0x38;
	[tilespmem:$0xC180] =	vst v63  }
0x1d: {  	_ =	swait.ge [sflag:s3], $0x4000  }
0x1e: {  	[sflag:s3] =	ssyncset.done $0x0  }
0x1f: {  	s17 =	simm.s32 $0x2;
	[sflag:s3] =	ssyncadd.s32 $0xFFFFC000  }
0x20: {  	_ =	swait.ge [sflag:s17], $0x4000  }
0x21: {  	[sflag:s17] =	ssyncset.done $0x0  }
0x22: {  	s21 =	ssub.s32 $0x2, s19;
	s18 =	sadd.s32 $0x19A600, s20;
	[sflag:s17] =	ssyncadd.s32 $0xFFFFC000  }
0x23: {  	[hbm4b:s18+s2] =	stream.linear.scatter [tilespmem:s12], [sflag:$0x4], $0x4000, $0x38;
	[tilespmem:$0xC180] =	vst v63  }
0x24: {  	s22 =	sshrl.u32 s21, $0x1;
	_ =	swait.ge [sflag:s3], $0x4000  }
0x25: {  	s21 =	ssub.s32 s21, s22;
	[sflag:s3] =	ssyncset.done $0x0  }
0x26: {  	s19 =	simm.s32 $0x3;
	s21 =	smax.u32 s21, $0x1;
	[sflag:s3] =	ssyncadd.s32 $0xFFFFC000  }
0x27: {  	p0 =	sne.s32 s21, $0x1;
	_ =	swait.ge [sflag:s19], $0x4000  }
.Ltmp0:
0x28: {  	[sflag:s19] =	ssyncset.done $0x0;
	(pc) =	sbr.rel @!p0 .LBB2_2-.Ltmp0, $4  }
0x29: {  	s20 =	sadd.s32 $0x1AA600, s20;
	[sflag:s19] =	ssyncadd.s32 $0xFFFFC000  }
0x2a: {  	[hbm4b:s20+s2] =	stream.linear.scatter [tilespmem:s14], [sflag:$0x4], $0x4000, $0x38;
	[tilespmem:$0xC180] =	vst v63  }
0x2b: {  	_ =	swait.ge [sflag:s3], $0x4000  }
0x2c: {  	s21 =	sadd.s32 $0xFFFFFFFF, s21;
	[sflag:s3] =	ssyncset.done $0x0  }
.LBB2_1:
0x2d: {  	p0 =	sne.s32 s21, $0x1;
	s21 =	sadd.s32 $0xFFFFFFFF, s21;
	[sflag:s3] =	ssyncadd.s32 $0xFFFFC000  }
0x2e: {  	[tilespmem:s2], [sflag:$0x4] =	stream.linear.gather [hbm4b:s4+s2], $0x80, $0x38;
	[tilespmem:$0xC180] =	vst v63  }
0x2f: {  	_ =	swait.ge [sflag:s3], $0x80  }
0x30: {  	[sflag:s3] =	ssyncset.done $0x0  }
0x31: {  	[sflag:s3] =	ssyncadd.s32 $0xFFFFFF80  }
0x32: {  	[tilespmem:s6], [sflag:$0x4] =	stream.linear.gather [hbm4b:s5+s2], $0x80, $0x38;
	[tilespmem:$0xC180] =	vst v63  }
0x33: {  	_ =	swait.ge [sflag:s3], $0x80  }
0x34: {  	[sflag:s3] =	ssyncset.done $0x0  }
0x35: {  	[sflag:s3] =	ssyncadd.s32 $0xFFFFFF80  }
0x36: {  	[tilespmem:s8], [sflag:$0x4] =	stream.linear.gather [hbm4b:s7+s2], $0x80, $0x38;
	[tilespmem:$0xC180] =	vst v63  }
0x37: {  	_ =	swait.ge [sflag:s3], $0x80  }
0x38: {  	[sflag:s3] =	ssyncset.done $0x0  }
0x39: {  	[sflag:s3] =	ssyncadd.s32 $0xFFFFFF80  }
0x3a: {  	[tilespmem:s10], [sflag:$0x1] =	stream.indirect.gather [hbm4b:s9+s6], $0x80, s2, s6, $0xb8;
	[tilespmem:$0xC180] =	vst v63  }
0x3b: {  	_ = 	snop  }
0x3c: {  	[tilespmem:s12], [sflag:$0x2] =	stream.indirect.gather [hbm4b:s11+s6], $0x80, s6, s6, $0xb8;
	[tilespmem:$0xC180] =	vst v63  }
0x3d: {  	_ = 	snop  }
0x3e: {  	[tilespmem:s14], [sflag:$0x3] =	stream.indirect.gather [hbm4b:s13+s6], $0x80, s8, s6, $0xb8;
	[tilespmem:$0xC180] =	vst v63  }
0x3f: {  	_ =	swait.ge [sflag:s15], $0x4000  }
0x40: {  	[sflag:s15] =	ssyncset.done $0x0  }
0x41: {  	[sflag:s15] =	ssyncadd.s32 $0xFFFFC000  }
0x42: {  	[hbm4b:s16+s2] =	stream.linear.scatter [tilespmem:s10], [sflag:$0x4], $0x4000, $0x38;
	[tilespmem:$0xC180] =	vst v63  }
0x43: {  	_ =	swait.ge [sflag:s3], $0x4000  }
0x44: {  	[sflag:s3] =	ssyncset.done $0x0  }
0x45: {  	[sflag:s3] =	ssyncadd.s32 $0xFFFFC000  }
0x46: {  	_ =	swait.ge [sflag:s17], $0x4000  }
0x47: {  	[sflag:s17] =	ssyncset.done $0x0  }
0x48: {  	[sflag:s17] =	ssyncadd.s32 $0xFFFFC000  }
0x49: {  	[hbm4b:s18+s2] =	stream.linear.scatter [tilespmem:s12], [sflag:$0x4], $0x4000, $0x38;
	[tilespmem:$0xC180] =	vst v63  }
0x4a: {  	_ =	swait.ge [sflag:s3], $0x4000  }
0x4b: {  	[sflag:s3] =	ssyncset.done $0x0  }
0x4c: {  	[sflag:s3] =	ssyncadd.s32 $0xFFFFC000  }
0x4d: {  	_ =	swait.ge [sflag:s19], $0x4000  }
.Ltmp1:
0x4e: {  	[sflag:s19] =	ssyncset.done $0x0;
	(pc) =	sbr.rel @p0 .LBB2_1-.Ltmp1, $4  }
0x4f: {  	[sflag:s19] =	ssyncadd.s32 $0xFFFFC000  }
0x50: {  	[hbm4b:s20+s2] =	stream.linear.scatter [tilespmem:s14], [sflag:$0x4], $0x4000, $0x38;
	[tilespmem:$0xC180] =	vst v63  }
0x51: {  	_ =	swait.ge [sflag:s3], $0x4000  }
0x52: {  	[sflag:s3] =	ssyncset.done $0x0  }
.LBB2_2:
0x53: {  	[sflag:s3] =	ssyncadd.s32 $0xFFFFC000  }
0x54: {  	_ =	sfence.sel $0x180000  }
0x55: {  	[bflag:$0x0] =	sbarrier.arrive $0xFFFF  }
0x56: {  	p0 =	sne.s32 s0, $0x0;
	_ =	strace $0x90000047  }
0x57: {  	s0 =	sadd.s32 @!p0 $0x100000, s1;
	[bflag:$0x2] =	sbarrier.arrive $0xFFFF  }
0x58: {  	[sflag:s0] =	ssyncadd.tile.s32 @!p0 $0x1;
	_ =	shalt  }
.Lfunc_end2:
_tile_overlayer_lowered:
.L_overlay_start_2:
0x59: {  	(tag) =	ssettag $0x2  }
0x5a: {  	s0 =	rddreg [dreg:$0x0];
	s2 =	stileid.u32  }
0x5b: {  	s1 =	rddreg [dreg:$0x1];
	p0 =	sne.s32 s2, $0x0  }
0x5c: {  	s3 =	rddreg [dreg:$0x2];
	[bflag:$0x3] =	sbarrier.arrive $0xFFFF;
	s2 =	simm.s32 @!p0 $0x1C04  }
0x5d: {  	[timem:s3], [sflag:s2] =	dma.local @!p0 [hbm:s0], s1  }
0x5e: {  	s0 =	simm.s32 @!p0 $0x4  }
0x5f: {  	_ =	swait.ge @!p0 [sflag:s0], s1  }
0x60: {  	s1 =	ssub.s32 @!p0 $0x0, s1;
	[sflag:s0] =	ssyncset.done @!p0 $0x0  }
0x61: {  	[sflag:s0] =	ssyncadd.s32 @!p0 s1  }
0x62: {  	[bflag:$0x3] =	sbarrier.arrive $0xFFFF  }
0x63: {  	_ =	shalt  }

</sc_bundles>
